<compile_context>
chip_gen: v7x
topology: tpu7x:2x2x1
jax: 0.10.2.dev20260603
libtpu: 0.0.44.dev20260713+nightly
codegen_flags: <defaults>
</compile_context>

<pallas_src>
import functools

import jax
import jax.numpy as jnp
from jax import lax
from jax.experimental import pallas as pl
from jax.experimental.pallas import tpu as pltpu
from jax.experimental.pallas import tpu_sc as plsc

_ALPHA = 1.0
_IGNORE = 0
_LANES = 16


def _first_occurrence(t, fill_n, n, v):
    mesh = plsc.VectorSubcoreMesh(core_axis_name="c", subcore_axis_name="s")

    @functools.partial(
        pl.kernel,
        mesh=mesh,
        out_type=jax.ShapeDtypeStruct((1, v), jnp.int32),
        scratch_types=[
            pltpu.VMEM((n,), jnp.int32),
            pltpu.VMEM((v,), jnp.int32),
        ],
        compiler_params=pltpu.CompilerParams(needs_layout_passes=False),
    )
    def body(t_hbm, fill_hbm, first_hbm, t_vmem, first_vmem):
        cid = lax.axis_index("c")
        sid = lax.axis_index("s")

        @pl.when(jnp.logical_and(cid == 0, sid == 0))
        def _():
            pltpu.sync_copy(t_hbm, t_vmem)
            pltpu.sync_copy(fill_hbm, first_vmem)

            lanes = lax.broadcasted_iota(jnp.int32, (_LANES,), 0)
            n_chunks = n // _LANES

            def chunk(c, carry):
                base = (n_chunks - 1 - c) * _LANES
                tj = t_vmem[pl.ds(base, _LANES)]
                jv = lanes + base
                for l in range(_LANES - 1, -1, -1):
                    plsc.store_scatter(first_vmem, [tj], jv, mask=lanes == l)
                return carry

            lax.fori_loop(0, n_chunks, chunk, 0)
            c0 = first_vmem[pl.ds(0, _LANES)]
            first_vmem[pl.ds(0, _LANES)] = jnp.where(lanes == 0, n, c0)

            pltpu.sync_copy(first_vmem, first_hbm.at[0])

    return body(t, fill_n)


def _loss_body(x_ref, t_ref, first_ref, out_ref, acc_ref, *, rows_per_blk):
    i = pl.program_id(0)
    x = x_ref[...]
    t = t_ref[...]
    first = first_ref[...]

    e = jnp.exp(x)
    s = jnp.sum(e, axis=1, keepdims=True)
    lse = jnp.log(s)

    rows = i * rows_per_blk + lax.broadcasted_iota(
        jnp.int32, (rows_per_blk, 1), 0)
    viota = lax.broadcasted_iota(jnp.int32, (1, x.shape[1]), 1)

    p = e * (1.0 / s)
    f = (-_ALPHA) * jnp.log(jnp.maximum(1.0 - p, 1e-5))
    contrib = jnp.where(
        viota == t, -x, jnp.where(first < rows, f, 0.0))
    csum = jnp.sum(contrib, axis=1, keepdims=True)

    valid = t != _IGNORE
    block_loss = jnp.sum(jnp.where(valid, csum + lse, 0.0))
    block_valid = jnp.sum(valid.astype(jnp.float32))

    @pl.when(i == 0)
    def _():
        acc_ref[0] = 0.0
        acc_ref[1] = 0.0

    acc_ref[0] += block_loss
    acc_ref[1] += block_valid

    @pl.when(i == pl.num_programs(0) - 1)
    def _():
        out_ref[0] = acc_ref[0] / acc_ref[1]


def _masked_loss(x, t_col, first_row, rows_per_blk):
    n, v = x.shape
    grid = n // rows_per_blk
    return pl.pallas_call(
        functools.partial(_loss_body, rows_per_blk=rows_per_blk),
        grid=(grid,),
        in_specs=[
            pl.BlockSpec((rows_per_blk, v), lambda i: (i, 0)),
            pl.BlockSpec((rows_per_blk, 1), lambda i: (i, 0)),
            pl.BlockSpec((1, v), lambda i: (0, 0)),
        ],
        out_specs=pl.BlockSpec(memory_space=pltpu.SMEM),
        out_shape=jax.ShapeDtypeStruct((1,), jnp.float32),
        scratch_shapes=[pltpu.SMEM((2,), jnp.float32)],
    )(x, t_col, first_row)


def kernel(input, target):
    n = input.shape[-2] * input.shape[0]
    v = input.shape[-1]
    x = input.reshape(n, v)
    t = target.reshape(n).astype(jnp.int32)
    fill_n = jnp.full((v,), n, jnp.int32)
    first = _first_occurrence(t, fill_n, n, v)
    out = _masked_loss(x, t.reshape(n, 1), first, 128)
    return out.reshape(())

# --- scband reference (transcript-rebuilt; emitter-appended) ---
"""Pipeline reference for scband-unlikelihood-loss-18657337934664 (READ-ONLY COPY).

The authoritative reference and input builder live on the scoring server;
editing this copy changes nothing except your own understanding.
"""

import jax, jax.numpy as jnp
import numpy as np

ALPHA = 1.0
IGNORE = 0


def setup_inputs(seed: int = 0) -> dict:
    key = jax.random.key(seed)
    k1, k2 = jax.random.split(key)
    inp = jax.random.normal(k1, (1, 2048, 8192), dtype=jnp.float32)
    tgt = jax.random.randint(k2, (1, 2048), 0, 8192, dtype=jnp.int32)
    return {"input": inp, "target": tgt}


def reference(input, target):
    V = input.shape[-1]
    raw_logits = jax.nn.log_softmax(input, axis=-1)
    t = target.reshape(-1)
    N = t.shape[0]
    logits = raw_logits.reshape(-1, V)
    # negative_candidates[i, j] = target[j] if j < i else ignore_index
    neg = jnp.broadcast_to(t[None, :], (N, N))
    strict_lower = jnp.tril(jnp.ones((N, N), dtype=bool), -1)
    neg = jnp.where(strict_lower, neg, IGNORE)
    # drop candidates equal to the current token's target
    neg = jnp.where(neg == t[:, None], IGNORE, neg)
    # scatter 1s into [N, V] at candidate positions
    neg_targets = jnp.zeros((N, V), dtype=logits.dtype)
    neg_targets = neg_targets.at[jnp.arange(N)[:, None], neg].set(1.0)
    # zero rows whose target is ignore_index, and the ignore_index column
    neg_targets = jnp.where((t == IGNORE)[:, None], 0.0, neg_targets)
    neg_targets = neg_targets.at[:, IGNORE].set(0.0)
    neg_targets = jax.lax.stop_gradient(neg_targets)
    inverse_probs = jnp.clip(1.0 - jnp.exp(logits), 1e-05, None)
    ul_loss = (-jnp.log(inverse_probs) * neg_targets).sum(axis=-1)
    valid = t != IGNORE
    n_valid = valid.sum().astype(logits.dtype)
    nll = -jnp.take_along_axis(logits, t[:, None].astype(jnp.int32), axis=1)[:, 0]
    mle_loss = jnp.where(valid, nll, 0.0).sum() / n_valid
    ul_mean = ul_loss.sum() / n_valid
    return ALPHA * ul_mean + mle_loss

if __name__ == "__main__":
    import jax
    _d = setup_inputs()
    print(jax.jit(kernel)(*tuple(_d.values())))

</pallas_src>

<mosaic_0001>
#map = affine_map<(d0, d1) -> (0)>
#map1 = affine_map<(d0, d1) -> (0, 0)>
module attributes {stable_mosaic.version = 14 : i64} {
  func.func @body(%arg0: i32, %arg1: i32, %arg2: memref<2048xi32, #tpu.memory_space<hbm>>, %arg3: memref<8192xi32, #tpu.memory_space<hbm>>, %arg4: memref<1x8192xi32, #tpu.memory_space<hbm>>, %arg5: memref<2048xi32, #tpu.memory_space<vmem>>, %arg6: memref<8192xi32, #tpu.memory_space<vmem>>) attributes {dimension_semantics = [#tpu.dimension_semantics<core_parallel>, #tpu.dimension_semantics<subcore_parallel>], iteration_bounds = array<i64: 2, 16>, scalar_prefetch = 0 : i64, scratch_operands = 2 : i64, tpu.core_type = #tpu.core_type<sc_vector_subcore>, window_params = [{transform_indices = #map}, {transform_indices = #map}, {transform_indices = #map1}]} {
    %eq3A = arith.constant 0 : i32
    %eq3A_0 = arith.cmpi eq, %arg0, %eq3A : i32
    %eq3A_1 = arith.constant 0 : i32
    %eq3A_2 = arith.cmpi eq, %arg1, %eq3A_1 : i32
    %and3A = arith.andi %eq3A_0, %eq3A_2 : i1
    %convert_element_type3A = arith.extui %and3A : i1 to i32
    %cond3A = arith.constant 0 : i32
    %cond3A_3 = arith.cmpi ne, %convert_element_type3A, %cond3A : i32
    scf.if %cond3A_3 {
      "tpu.region"() ({
        %run_scoped3A_14 = tpu.sem_alloc : memref<!tpu.dma_semaphore, #tpu.memory_space<semaphore_mem>>
        tpu.enqueue_dma source(%arg2 : memref<2048xi32, #tpu.memory_space<hbm>>) target(%arg5 : memref<2048xi32, #tpu.memory_space<vmem>>) target_semaphore(%run_scoped3A_14 : memref<!tpu.dma_semaphore, #tpu.memory_space<semaphore_mem>>)
        tpu.wait_dma2 semaphore(%run_scoped3A_14 : memref<!tpu.dma_semaphore, #tpu.memory_space<semaphore_mem>>) src(%arg2 : memref<2048xi32, #tpu.memory_space<hbm>>) dst(%arg5 : memref<2048xi32, #tpu.memory_space<vmem>>)
        tpu.yield
      }) : () -> ()
      "tpu.region"() ({
        %run_scoped3A_14 = tpu.sem_alloc : memref<!tpu.dma_semaphore, #tpu.memory_space<semaphore_mem>>
        tpu.enqueue_dma source(%arg3 : memref<8192xi32, #tpu.memory_space<hbm>>) target(%arg6 : memref<8192xi32, #tpu.memory_space<vmem>>) target_semaphore(%run_scoped3A_14 : memref<!tpu.dma_semaphore, #tpu.memory_space<semaphore_mem>>)
        tpu.wait_dma2 semaphore(%run_scoped3A_14 : memref<!tpu.dma_semaphore, #tpu.memory_space<semaphore_mem>>) src(%arg3 : memref<8192xi32, #tpu.memory_space<hbm>>) dst(%arg6 : memref<8192xi32, #tpu.memory_space<vmem>>)
        tpu.yield
      }) : () -> ()
      %iota3A = tpu.iota {dimensions = array<i32: 0>} : vector<16xi32>
      %scan3A = arith.constant 0 : i32
      %scan3A_4 = arith.constant 0 : i32
      %scan3A_5 = arith.constant 128 : i32
      %scan3A_6 = arith.addi %scan3A_4, %scan3A_5 : i32
      %scan3A_7 = arith.constant 1 : i32
      scf.for %scan3A_14 = %scan3A_4 to %scan3A_6 step %scan3A_7  : i32 {
        %sub3A = arith.constant 127 : i32
        %sub3A_15 = arith.subi %sub3A, %scan3A_14 : i32
        %mul3A = arith.constant 16 : i32
        %mul3A_16 = arith.muli %sub3A_15, %mul3A : i32
        %get3A_17 = arith.index_cast %mul3A_16 : i32 to index
        %get3A_18 = tpu.vector_load %arg5[%get3A_17] {strides = array<i32>} : memref<2048xi32, #tpu.memory_space<vmem>>, vector<16xi32>,
        %add3A = vector.broadcast %mul3A_16 : i32 to vector<16xi32>
        %add3A_19 = arith.addi %iota3A, %add3A : vector<16xi32>
        %eq3A_20 = arith.constant 15 : i32
        %eq3A_21 = vector.broadcast %eq3A_20 : i32 to vector<16xi32>
        %eq3A_22 = arith.cmpi eq, %iota3A, %eq3A_21 : vector<16xi32>
        tpu.vector_store_idx %arg6[%get3A_18], %add3A_19 masked %eq3A_22 : memref<8192xi32, #tpu.memory_space<vmem>>[vector<16xi32>], vector<16xi32>, vector<16xi1>
        %eq3A_23 = arith.constant 14 : i32
        %eq3A_24 = vector.broadcast %eq3A_23 : i32 to vector<16xi32>
        %eq3A_25 = arith.cmpi eq, %iota3A, %eq3A_24 : vector<16xi32>
        tpu.vector_store_idx %arg6[%get3A_18], %add3A_19 masked %eq3A_25 : memref<8192xi32, #tpu.memory_space<vmem>>[vector<16xi32>], vector<16xi32>, vector<16xi1>
        %eq3A_26 = arith.constant 13 : i32
        %eq3A_27 = vector.broadcast %eq3A_26 : i32 to vector<16xi32>
        %eq3A_28 = arith.cmpi eq, %iota3A, %eq3A_27 : vector<16xi32>
        tpu.vector_store_idx %arg6[%get3A_18], %add3A_19 masked %eq3A_28 : memref<8192xi32, #tpu.memory_space<vmem>>[vector<16xi32>], vector<16xi32>, vector<16xi1>
        %eq3A_29 = arith.constant 12 : i32
        %eq3A_30 = vector.broadcast %eq3A_29 : i32 to vector<16xi32>
        %eq3A_31 = arith.cmpi eq, %iota3A, %eq3A_30 : vector<16xi32>
        tpu.vector_store_idx %arg6[%get3A_18], %add3A_19 masked %eq3A_31 : memref<8192xi32, #tpu.memory_space<vmem>>[vector<16xi32>], vector<16xi32>, vector<16xi1>
        %eq3A_32 = arith.constant 11 : i32
        %eq3A_33 = vector.broadcast %eq3A_32 : i32 to vector<16xi32>
        %eq3A_34 = arith.cmpi eq, %iota3A, %eq3A_33 : vector<16xi32>
        tpu.vector_store_idx %arg6[%get3A_18], %add3A_19 masked %eq3A_34 : memref<8192xi32, #tpu.memory_space<vmem>>[vector<16xi32>], vector<16xi32>, vector<16xi1>
        %eq3A_35 = arith.constant 10 : i32
        %eq3A_36 = vector.broadcast %eq3A_35 : i32 to vector<16xi32>
        %eq3A_37 = arith.cmpi eq, %iota3A, %eq3A_36 : vector<16xi32>
        tpu.vector_store_idx %arg6[%get3A_18], %add3A_19 masked %eq3A_37 : memref<8192xi32, #tpu.memory_space<vmem>>[vector<16xi32>], vector<16xi32>, vector<16xi1>
        %eq3A_38 = arith.constant 9 : i32
        %eq3A_39 = vector.broadcast %eq3A_38 : i32 to vector<16xi32>
        %eq3A_40 = arith.cmpi eq, %iota3A, %eq3A_39 : vector<16xi32>
        tpu.vector_store_idx %arg6[%get3A_18], %add3A_19 masked %eq3A_40 : memref<8192xi32, #tpu.memory_space<vmem>>[vector<16xi32>], vector<16xi32>, vector<16xi1>
        %eq3A_41 = arith.constant 8 : i32
        %eq3A_42 = vector.broadcast %eq3A_41 : i32 to vector<16xi32>
        %eq3A_43 = arith.cmpi eq, %iota3A, %eq3A_42 : vector<16xi32>
        tpu.vector_store_idx %arg6[%get3A_18], %add3A_19 masked %eq3A_43 : memref<8192xi32, #tpu.memory_space<vmem>>[vector<16xi32>], vector<16xi32>, vector<16xi1>
        %eq3A_44 = arith.constant 7 : i32
        %eq3A_45 = vector.broadcast %eq3A_44 : i32 to vector<16xi32>
        %eq3A_46 = arith.cmpi eq, %iota3A, %eq3A_45 : vector<16xi32>
        tpu.vector_store_idx %arg6[%get3A_18], %add3A_19 masked %eq3A_46 : memref<8192xi32, #tpu.memory_space<vmem>>[vector<16xi32>], vector<16xi32>, vector<16xi1>
        %eq3A_47 = arith.constant 6 : i32
        %eq3A_48 = vector.broadcast %eq3A_47 : i32 to vector<16xi32>
        %eq3A_49 = arith.cmpi eq, %iota3A, %eq3A_48 : vector<16xi32>
        tpu.vector_store_idx %arg6[%get3A_18], %add3A_19 masked %eq3A_49 : memref<8192xi32, #tpu.memory_space<vmem>>[vector<16xi32>], vector<16xi32>, vector<16xi1>
        %eq3A_50 = arith.constant 5 : i32
        %eq3A_51 = vector.broadcast %eq3A_50 : i32 to vector<16xi32>
        %eq3A_52 = arith.cmpi eq, %iota3A, %eq3A_51 : vector<16xi32>
        tpu.vector_store_idx %arg6[%get3A_18], %add3A_19 masked %eq3A_52 : memref<8192xi32, #tpu.memory_space<vmem>>[vector<16xi32>], vector<16xi32>, vector<16xi1>
        %eq3A_53 = arith.constant 4 : i32
        %eq3A_54 = vector.broadcast %eq3A_53 : i32 to vector<16xi32>
        %eq3A_55 = arith.cmpi eq, %iota3A, %eq3A_54 : vector<16xi32>
        tpu.vector_store_idx %arg6[%get3A_18], %add3A_19 masked %eq3A_55 : memref<8192xi32, #tpu.memory_space<vmem>>[vector<16xi32>], vector<16xi32>, vector<16xi1>
        %eq3A_56 = arith.constant 3 : i32
        %eq3A_57 = vector.broadcast %eq3A_56 : i32 to vector<16xi32>
        %eq3A_58 = arith.cmpi eq, %iota3A, %eq3A_57 : vector<16xi32>
        tpu.vector_store_idx %arg6[%get3A_18], %add3A_19 masked %eq3A_58 : memref<8192xi32, #tpu.memory_space<vmem>>[vector<16xi32>], vector<16xi32>, vector<16xi1>
        %eq3A_59 = arith.constant 2 : i32
        %eq3A_60 = vector.broadcast %eq3A_59 : i32 to vector<16xi32>
        %eq3A_61 = arith.cmpi eq, %iota3A, %eq3A_60 : vector<16xi32>
        tpu.vector_store_idx %arg6[%get3A_18], %add3A_19 masked %eq3A_61 : memref<8192xi32, #tpu.memory_space<vmem>>[vector<16xi32>], vector<16xi32>, vector<16xi1>
        %eq3A_62 = arith.constant 1 : i32
        %eq3A_63 = vector.broadcast %eq3A_62 : i32 to vector<16xi32>
        %eq3A_64 = arith.cmpi eq, %iota3A, %eq3A_63 : vector<16xi32>
        tpu.vector_store_idx %arg6[%get3A_18], %add3A_19 masked %eq3A_64 : memref<8192xi32, #tpu.memory_space<vmem>>[vector<16xi32>], vector<16xi32>, vector<16xi1>
        %eq3A_65 = arith.constant 0 : i32
        %eq3A_66 = vector.broadcast %eq3A_65 : i32 to vector<16xi32>
        %eq3A_67 = arith.cmpi eq, %iota3A, %eq3A_66 : vector<16xi32>
        tpu.vector_store_idx %arg6[%get3A_18], %add3A_19 masked %eq3A_67 : memref<8192xi32, #tpu.memory_space<vmem>>[vector<16xi32>], vector<16xi32>, vector<16xi1>
      }
      %scan3A_8 = arith.constant 128 : i32
      %get3A = arith.constant 0 : index
      %get3A_9 = tpu.vector_load %arg6[%get3A] {strides = array<i32>} : memref<8192xi32, #tpu.memory_space<vmem>>, vector<16xi32>,
      %eq3A_10 = arith.constant 0 : i32
      %eq3A_11 = vector.broadcast %eq3A_10 : i32 to vector<16xi32>
      %eq3A_12 = arith.cmpi eq, %iota3A, %eq3A_11 : vector<16xi32>
      %jit3A = arith.constant 2048 : i32
      %broadcast_in_dim3A = vector.broadcast %jit3A : i32 to vector<16xi32>
      %select_n3A = arith.select %eq3A_12, %broadcast_in_dim3A, %get3A_9 : vector<16xi1>, vector<16xi32>
      %swap3A = arith.constant 0 : index
      %swap3A_13 = tpu.vector_load %arg6[%swap3A] {strides = array<i32>} : memref<8192xi32, #tpu.memory_space<vmem>>, vector<16xi32>,
      tpu.vector_store %arg6[%swap3A], %select_n3A {strides = array<i32>} : memref<8192xi32, #tpu.memory_space<vmem>>, vector<16xi32>,
      %run_scoped3A = arith.constant 0 : i32
      "tpu.region"() ({
        %run_scoped3A_14 = tpu.sem_alloc : memref<!tpu.dma_semaphore, #tpu.memory_space<semaphore_mem>>
        %dma_start3A = arith.constant 0 : i32
        %dma_start3A_15 = tpu.memref_slice %arg4[%run_scoped3A, %dma_start3A] : memref<1x8192xi32, #tpu.memory_space<hbm>> -> memref<1x8192xi32, #tpu.memory_space<hbm>>
        %dma_start3A_16 = tpu.memref_squeeze %dma_start3A_15 : memref<1x8192xi32, #tpu.memory_space<hbm>> -> memref<8192xi32, #tpu.memory_space<hbm>>
        %dma_start3A_17 = arith.constant 0 : i32
        %dma_start3A_18 = tpu.memref_slice %arg4[%run_scoped3A, %dma_start3A_17] : memref<1x8192xi32, #tpu.memory_space<hbm>> -> memref<1x8192xi32, #tpu.memory_space<hbm>>
        %dma_start3A_19 = tpu.memref_squeeze %dma_start3A_18 : memref<1x8192xi32, #tpu.memory_space<hbm>> -> memref<8192xi32, #tpu.memory_space<hbm>>
        tpu.enqueue_dma source(%arg6 : memref<8192xi32, #tpu.memory_space<vmem>>) target(%dma_start3A_19 : memref<8192xi32, #tpu.memory_space<hbm>>) target_semaphore(%run_scoped3A_14 : memref<!tpu.dma_semaphore, #tpu.memory_space<semaphore_mem>>)
        %dma_wait3A = arith.constant 0 : i32
        %dma_wait3A_20 = tpu.memref_slice %arg4[%run_scoped3A, %dma_wait3A] : memref<1x8192xi32, #tpu.memory_space<hbm>> -> memref<1x8192xi32, #tpu.memory_space<hbm>>
        %dma_wait3A_21 = tpu.memref_squeeze %dma_wait3A_20 : memref<1x8192xi32, #tpu.memory_space<hbm>> -> memref<8192xi32, #tpu.memory_space<hbm>>
        %dma_wait3A_22 = arith.constant 0 : i32
        %dma_wait3A_23 = tpu.memref_slice %arg4[%run_scoped3A, %dma_wait3A_22] : memref<1x8192xi32, #tpu.memory_space<hbm>> -> memref<1x8192xi32, #tpu.memory_space<hbm>>
        %dma_wait3A_24 = tpu.memref_squeeze %dma_wait3A_23 : memref<1x8192xi32, #tpu.memory_space<hbm>> -> memref<8192xi32, #tpu.memory_space<hbm>>
        tpu.wait_dma2 semaphore(%run_scoped3A_14 : memref<!tpu.dma_semaphore, #tpu.memory_space<semaphore_mem>>) src(%arg6 : memref<8192xi32, #tpu.memory_space<vmem>>) dst(%dma_wait3A_24 : memref<8192xi32, #tpu.memory_space<hbm>>)
        tpu.yield
      }) : () -> ()
    } else {
    }
    return
  }
}

module attributes {stable_mosaic.version = 14 : i64} {
  func.func @_loss_body(%arg0: i32, %arg1: memref<128x8192xf32, #tpu.memory_space<vmem>>, %arg2: memref<128x1xi32, #tpu.memory_space<vmem>>, %arg3: memref<1x8192xi32, #tpu.memory_space<vmem>>, %arg4: memref<1xf32, #tpu.memory_space<smem>>, %arg5: memref<2xf32, #tpu.memory_space<smem>>) attributes {dimension_semantics = [#tpu.dimension_semantics<arbitrary>], iteration_bounds = array<i64: 16>, scalar_prefetch = 0 : i64, scratch_operands = 1 : i64, tpu.core_type = #tpu.core_type<tc>, window_params = [{transform_indices = @transform_0, window_bounds = array<i64: 128, 8192>}, {transform_indices = @transform_1, window_bounds = array<i64: 128, 1>}, {pipeline_mode = #tpu.pipeline_mode<synchronous>, transform_indices = @transform_2, window_bounds = array<i64: 1, 8192>}, {transform_indices = @transform_3, window_bounds = array<i64: 1>}]} {
    %get3A = arith.constant 0 : index
    %get3A_0 = arith.constant 0 : index
    %get3A_1 = vector.load %arg1[%get3A, %get3A_0] : memref<128x8192xf32, #tpu.memory_space<vmem>>, vector<128x8192xf32>
    %get3A_2 = arith.constant 0 : index
    %get3A_3 = arith.constant 0 : index
    %get3A_4 = vector.load %arg2[%get3A_2, %get3A_3] : memref<128x1xi32, #tpu.memory_space<vmem>>, vector<128x1xi32>
    %get3A_5 = arith.constant 0 : index
    %get3A_6 = arith.constant 0 : index
    %get3A_7 = vector.load %arg3[%get3A_5, %get3A_6] : memref<1x8192xi32, #tpu.memory_space<vmem>>, vector<1x8192xi32>
    %exp3A = math.exp %get3A_1 : vector<128x8192xf32>
    %reduce_sum3A = arith.constant dense<0.000000e+00> : vector<128xf32>
    %reduce_sum3A_8 = vector.multi_reduction <add>, %exp3A, %reduce_sum3A [1] : vector<128x8192xf32> to vector<128xf32>
    %broadcast_in_dim3A = vector.shape_cast %reduce_sum3A_8 : vector<128xf32> to vector<128x1xf32>
    %log3A = math.log %broadcast_in_dim3A : vector<128x1xf32>
    %mul3A = arith.constant 128 : i32
    %mul3A_9 = arith.muli %arg0, %mul3A : i32
    %iota3A = tpu.iota {dimensions = array<i32: 0>} : vector<128x1xi32>
    %add3A = vector.broadcast %mul3A_9 : i32 to vector<128x1xi32>
    %add3A_10 = arith.addi %add3A, %iota3A : vector<128x1xi32>
    %iota3A_11 = tpu.iota {dimensions = array<i32: 1>} : vector<1x8192xi32>
    %div3A = arith.constant 1.000000e+00 : f32
    %div3A_12 = vector.broadcast %div3A : f32 to vector<128x1xf32>
    %div3A_13 = arith.divf %div3A_12, %broadcast_in_dim3A : vector<128x1xf32>
    %mul3A_14 = vector.broadcast %div3A_13 : vector<128x1xf32> to vector<128x8192xf32>
    %mul3A_15 = arith.mulf %exp3A, %mul3A_14 : vector<128x8192xf32>
    %sub3A = arith.constant 1.000000e+00 : f32
    %sub3A_16 = vector.broadcast %sub3A : f32 to vector<128x8192xf32>
    %sub3A_17 = arith.subf %sub3A_16, %mul3A_15 : vector<128x8192xf32>
    %max3A = arith.constant 9.99999974E-6 : f32
    %max3A_18 = vector.broadcast %max3A : f32 to vector<128x8192xf32>
    %max3A_19 = arith.maximumf %sub3A_17, %max3A_18 : vector<128x8192xf32>
    %log3A_20 = math.log %max3A_19 : vector<128x8192xf32>
    %mul3A_21 = arith.constant -1.000000e+00 : f32
    %mul3A_22 = vector.broadcast %mul3A_21 : f32 to vector<128x8192xf32>
    %mul3A_23 = arith.mulf %mul3A_22, %log3A_20 : vector<128x8192xf32>
    %eq3A = vector.broadcast %iota3A_11 : vector<1x8192xi32> to vector<128x8192xi32>
    %eq3A_24 = vector.broadcast %get3A_4 : vector<128x1xi32> to vector<128x8192xi32>
    %eq3A_25 = arith.cmpi eq, %eq3A, %eq3A_24 : vector<128x8192xi32>
    %neg3A = arith.constant 0.000000e+00 : f32
    %neg3A_26 = vector.broadcast %neg3A : f32 to vector<128x8192xf32>
    %neg3A_27 = arith.subf %neg3A_26, %get3A_1 : vector<128x8192xf32>
    %lt3A = vector.broadcast %get3A_7 : vector<1x8192xi32> to vector<128x8192xi32>
    %lt3A_28 = vector.broadcast %add3A_10 : vector<128x1xi32> to vector<128x8192xi32>
    %lt3A_29 = arith.cmpi slt, %lt3A, %lt3A_28 : vector<128x8192xi32>
    %jit3A = arith.constant 0.000000e+00 : f32
    %broadcast_in_dim3A_30 = vector.broadcast %jit3A : f32 to vector<128x8192xf32>
    %select_n3A = arith.select %lt3A_29, %mul3A_23, %broadcast_in_dim3A_30 : vector<128x8192xi1>, vector<128x8192xf32>
    %select_n3A_31 = arith.select %eq3A_25, %neg3A_27, %select_n3A : vector<128x8192xi1>, vector<128x8192xf32>
    %reduce_sum3A_32 = arith.constant dense<0.000000e+00> : vector<128xf32>
    %reduce_sum3A_33 = vector.multi_reduction <add>, %select_n3A_31, %reduce_sum3A_32 [1] : vector<128x8192xf32> to vector<128xf32>
    %broadcast_in_dim3A_34 = vector.shape_cast %reduce_sum3A_33 : vector<128xf32> to vector<128x1xf32>
    %ne3A = arith.constant 0 : i32
    %ne3A_35 = vector.broadcast %ne3A : i32 to vector<128x1xi32>
    %ne3A_36 = arith.cmpi ne, %get3A_4, %ne3A_35 : vector<128x1xi32>
    %add3A_37 = arith.addf %broadcast_in_dim3A_34, %log3A : vector<128x1xf32>
    %jit3A_38 = arith.constant 0.000000e+00 : f32
    %broadcast_in_dim3A_39 = vector.broadcast %jit3A_38 : f32 to vector<128x1xf32>
    %select_n3A_40 = arith.select %ne3A_36, %add3A_37, %broadcast_in_dim3A_39 : vector<128x1xi1>, vector<128x1xf32>
    %reduce_sum3A_41 = vector.shape_cast %select_n3A_40 : vector<128x1xf32> to vector<1x128x1xf32>
    %reduce_sum3A_42 = arith.constant dense<0.000000e+00> : vector<1xf32>
    %reduce_sum3A_43 = vector.multi_reduction <add>, %reduce_sum3A_41, %reduce_sum3A_42 [1, 2] : vector<1x128x1xf32> to vector<1xf32>
    %reduce_sum3A_44 = vector.shape_cast %reduce_sum3A_43 : vector<1xf32> to vector<1x1x1xf32>
    %reduce_sum3A_45 = vector.extract %reduce_sum3A_44[0, 0, 0] : f32 from vector<1x1x1xf32>
    %convert_element_type3A = arith.extui %ne3A_36 : vector<128x1xi1> to vector<128x1xi32>
    %convert_element_type3A_46 = arith.sitofp %convert_element_type3A : vector<128x1xi32> to vector<128x1xf32>
    %reduce_sum3A_47 = vector.shape_cast %convert_element_type3A_46 : vector<128x1xf32> to vector<1x128x1xf32>
    %reduce_sum3A_48 = arith.constant dense<0.000000e+00> : vector<1xf32>
    %reduce_sum3A_49 = vector.multi_reduction <add>, %reduce_sum3A_47, %reduce_sum3A_48 [1, 2] : vector<1x128x1xf32> to vector<1xf32>
    %reduce_sum3A_50 = vector.shape_cast %reduce_sum3A_49 : vector<1xf32> to vector<1x1x1xf32>
    %reduce_sum3A_51 = vector.extract %reduce_sum3A_50[0, 0, 0] : f32 from vector<1x1x1xf32>
    %eq3A_52 = arith.constant 0 : i32
    %eq3A_53 = arith.cmpi eq, %arg0, %eq3A_52 : i32
    %convert_element_type3A_54 = arith.extui %eq3A_53 : i1 to i32
    %cond3A = arith.constant 0 : i32
    %cond3A_55 = arith.cmpi ne, %convert_element_type3A_54, %cond3A : i32
    scf.if %cond3A_55 {
      %swap3A_70 = arith.constant 0.000000e+00 : f32
      %swap3A_71 = arith.constant 0 : index
      %swap3A_72 = memref.load %arg5[%swap3A_71] : memref<2xf32, #tpu.memory_space<smem>>
      memref.store %swap3A_70, %arg5[%swap3A_71] : memref<2xf32, #tpu.memory_space<smem>>
      %swap3A_73 = arith.constant 0.000000e+00 : f32
      %swap3A_74 = arith.constant 1 : index
      %swap3A_75 = memref.load %arg5[%swap3A_74] : memref<2xf32, #tpu.memory_space<smem>>
      memref.store %swap3A_73, %arg5[%swap3A_74] : memref<2xf32, #tpu.memory_space<smem>>
    } else {
    }
    %get3A_56 = arith.constant 0 : index
    %get3A_57 = memref.load %arg5[%get3A_56] : memref<2xf32, #tpu.memory_space<smem>>
    %add3A_58 = arith.addf %get3A_57, %reduce_sum3A_45 : f32
    %swap3A = arith.constant 0 : index
    %swap3A_59 = memref.load %arg5[%swap3A] : memref<2xf32, #tpu.memory_space<smem>>
    memref.store %add3A_58, %arg5[%swap3A] : memref<2xf32, #tpu.memory_space<smem>>
    %get3A_60 = arith.constant 1 : index
    %get3A_61 = memref.load %arg5[%get3A_60] : memref<2xf32, #tpu.memory_space<smem>>
    %add3A_62 = arith.addf %get3A_61, %reduce_sum3A_51 : f32
    %swap3A_63 = arith.constant 1 : index
    %swap3A_64 = memref.load %arg5[%swap3A_63] : memref<2xf32, #tpu.memory_space<smem>>
    memref.store %add3A_62, %arg5[%swap3A_63] : memref<2xf32, #tpu.memory_space<smem>>
    %eq3A_65 = arith.constant 15 : i32
    %eq3A_66 = arith.cmpi eq, %arg0, %eq3A_65 : i32
    %convert_element_type3A_67 = arith.extui %eq3A_66 : i1 to i32
    %cond3A_68 = arith.constant 0 : i32
    %cond3A_69 = arith.cmpi ne, %convert_element_type3A_67, %cond3A_68 : i32
    scf.if %cond3A_69 {
      %get3A_70 = arith.constant 0 : index
      %get3A_71 = memref.load %arg5[%get3A_70] : memref<2xf32, #tpu.memory_space<smem>>
      %get3A_72 = arith.constant 1 : index
      %get3A_73 = memref.load %arg5[%get3A_72] : memref<2xf32, #tpu.memory_space<smem>>
      %div3A_74 = arith.divf %get3A_71, %get3A_73 : f32
      %swap3A_75 = arith.constant 0 : index
      %swap3A_76 = memref.load %arg4[%swap3A_75] : memref<1xf32, #tpu.memory_space<smem>>
      memref.store %div3A_74, %arg4[%swap3A_75] : memref<1xf32, #tpu.memory_space<smem>>
    } else {
    }
    return
  }
  func.func @transform_0(%arg0: i32) -> (i32, i32) {
    %c0_i32 = arith.constant 0 : i32
    %c0_i32_0 = arith.constant 0 : i32
    return %arg0, %c0_i32 : i32, i32
  }
  func.func @transform_1(%arg0: i32) -> (i32, i32) {
    %c0_i32 = arith.constant 0 : i32
    %c0_i32_0 = arith.constant 0 : i32
    return %arg0, %c0_i32 : i32, i32
  }
  func.func @transform_2(%arg0: i32) -> (i32, i32) {
    %c0_i32 = arith.constant 0 : i32
    %c0_i32_0 = arith.constant 0 : i32
    %c0_i32_1 = arith.constant 0 : i32
    return %c0_i32, %c0_i32_0 : i32, i32
  }
  func.func @transform_3(%arg0: i32) -> i32 {
    %c0_i32 = arith.constant 0 : i32
    %c0_i32_0 = arith.constant 0 : i32
    return %c0_i32 : i32
  }
}

</mosaic_0001>

<sc_bundles>
// kernel: kernel.4.cloned.1.call-start
scs
__scs_entry_jumppad:
0x0: {  	(pc) =	sbr.rel $0x88, $3  }
0x1: {  	(tag) =	ssettag $0x0;
	lr =	simm.s32 $0x1  }
0x2: {  	[smem:$0x3F9F] =	sst lr;
	_ =	strace $0xD0000000  }
0x3: {  	_ = 	snop  }
0x4: {  	_ = 	snop  }
0x5: {  	_ = 	snop  }
0x6: {  	_ = 	snop  }
0x7: {  	_ = 	snop  }
__scs_overlays_trampoline_lowered:
0x8: {  	[smem:$0x3FAE] =	sst s0  }
0x9: {  	[smem:$0x3FAF] =	sst s1  }
0xa: {  	[smem:$0x3FB0] =	sst s2  }
0xb: {  	[smem:$0x3FB1] =	sst s3  }
0xc: {  	[smem:$0x3FB2] =	sst s4  }
0xd: {  	[smem:$0x3FB3] =	sst s5  }
0xe: {  	[smem:$0x3FB4] =	sst s6  }
0xf: {  	[smem:$0x3FB5] =	sst s7  }
0x10: {  	[smem:$0x3FB6] =	sst s8  }
0x11: {  	[smem:$0x3FB7] =	sst s9;
	s0 =	simm.s32 @!p0 $0x0  }
0x12: {  	s1 =	sld [smem:$0x3F9D];
	s0 =	simm.s32 @p0 $0x1  }
0x13: {  	[smem:$0x3FB8] =	sst s0;
	s0 =	simm.s32 @!p1 $0x0  }
0x14: {  	s2 =	sld [smem:$0x3F9C];
	s0 =	simm.s32 @p1 $0x1  }
0x15: {  	[smem:$0x3FB9] =	sst s0;
	s0 =	simm.s32 @!p2 $0x0  }
0x16: {  	s3 =	sld [smem:$0x3FDB];
	s0 =	simm.s32 @p2 $0x1  }
0x17: {  	s4 =	simm.s32 $0x1BF5;
	[smem:$0x3FBB] =	sst s0  }
0x18: {  	s0 =	sld [smem:$0x3F9E];
	_ =	swait.ge [sflag:s4], $0x0  }
0x19: {  	s7 =	sld [smem:$0x3F9F]  }
0x1a: {  	s8 =	sadd.s32 $0xFFFFE003, lr  }
0x1b: {  	s9 =	sadd.s32 $0xFFFFFEF7, lr;
	s5 =	simm.s32 $0xFFFFFFFF;
	p2 =	slt.u32 s8, $0xFFFFF086  }
0x1c: {  	p1 =	slt.u32 s9, $0xF7A;
	s5 =	simm.s32 @!p2 $0x0  }
0x1d: {  	s5 =	simm.s32 @p1 $0x1;
	p0 =	seq.s32 s7, s2  }
0x1e: {  	s7 =	smul.u32 @!p0 $0xF7A, s2;
	p2 =	seq.s32 @!p0 s5, $0x0  }
0x1f: {  	s9 =	smul.u32 $0xF7A, s1;
	s8 =	simm.s32 @!p0 $0x1BF5;
	p2 =	por !p2, p0  }
0x20: {  	[sflag:s8] =	ssyncset.s32 @!p0 $0xFFFFF086;
	s6 =	sadd.s32 @!p0 s3, s7;
	s7 =	simm.s32 @!p0 $0x108  }
0x21: {  	s3 =	sadd.s32 s3, s9;
	s6 =	sadd.s32 @!p0 $0x88, s6;
	s7 =	simm.s32 @p2 $0x1082  }
0x22: {  	[simem:s7], [sflag:s8] =	dma.local @!p0 [hbm:s6], $0xF7A  }
0x23: {  	s9 =	sor.u32 $0xD0000000, s2;
	s6 =	simm.s32 $0x108;
	_ =	swait.ge @!p0 [sflag:s8], $0x0  }
0x24: {  	s3 =	sadd.s32 $0x88, s3;
	s6 =	simm.s32 @!p1 $0x1082;
	[sflag:s4] =	ssyncset.s32 $0xFFFFF086  }
0x25: {  	[simem:s6], [sflag:s4] =	dma.local [hbm:s3], $0xF7A  }
0x26: {  	[smem:$0x3F9F] =	sst s1;
	(tag) =	ssettag s2;
	_ =	strace s9  }
0x27: {  	s1 =	sld [smem:$0x3FAF]  }
0x28: {  	s2 =	sld [smem:$0x3FB0]  }
0x29: {  	s4 =	sld [smem:$0x3FB2]  }
0x2a: {  	p0 =	seq.s32 s5, $0x0;
	s5 =	sld [smem:$0x3FB3]  }
0x2b: {  	s6 =	sld [smem:$0x3FB4]  }
0x2c: {  	s7 =	sld [smem:$0x3FB5]  }
0x2d: {  	s3 =	simm.s32 $0x108;
	s8 =	sld [smem:$0x3FB6]  }
0x2e: {  	s3 =	simm.s32 @!p0 $0x1082;
	s9 =	sld [smem:$0x3FB7]  }
0x2f: {  	lr =	sadd.s32 s0, s3;
	s0 =	sld [smem:$0x3FAE]  }
0x30: {  	s3 =	sld [smem:$0x3FB1]  }
0x31: {  	[smem:$0x3FBA] =	sst s10  }
0x32: {  	s10 =	sld [smem:$0x3FB8];
	_ =	sdelay $0x3  }
0x33: {  	p0 =	seq.s32 s10, $0x1;
	s10 =	sld [smem:$0x3FBA];
	_ =	sdelay $0x3  }
0x34: {  	[smem:$0x3FBA] =	sst s10  }
0x35: {  	s10 =	sld [smem:$0x3FB9];
	_ =	sdelay $0x3  }
0x36: {  	p1 =	seq.s32 s10, $0x1;
	s10 =	sld [smem:$0x3FBA];
	_ =	sdelay $0x3  }
0x37: {  	[smem:$0x3FBA] =	sst s10  }
0x38: {  	s10 =	sld [smem:$0x3FBB]  }
0x39: {  	_ = 	snop;
	(pc) =	sbr.ind lr, $3  }
0x3a: {  	_ = 	snop  }
0x3b: {  	_ = 	snop  }
0x3c: {  	p2 =	seq.s32 s10, $0x1;
	s10 =	sld [smem:$0x3FBA]  }
0x3d: {  	_ =	shalt  }
0x3e: {  	_ =	shalt  }
0x3f: {  	_ =	shalt  }
0x40: {  	_ =	shalt  }
0x41: {  	_ =	shalt  }
0x42: {  	_ =	shalt  }
0x43: {  	_ =	shalt  }
0x44: {  	_ =	shalt  }
0x45: {  	_ =	shalt  }
0x46: {  	_ =	shalt  }
0x47: {  	_ =	shalt  }
0x48: {  	_ =	shalt  }
0x49: {  	_ =	shalt  }
0x4a: {  	_ =	shalt  }
0x4b: {  	_ =	shalt  }
0x4c: {  	_ =	shalt  }
0x4d: {  	_ =	shalt  }
0x4e: {  	_ =	shalt  }
0x4f: {  	_ =	shalt  }
0x50: {  	_ =	shalt  }
0x51: {  	_ =	shalt  }
0x52: {  	_ =	shalt  }
0x53: {  	_ =	shalt  }
0x54: {  	_ =	shalt  }
0x55: {  	_ =	shalt  }
0x56: {  	_ =	shalt  }
0x57: {  	_ =	shalt  }
0x58: {  	_ =	shalt  }
0x59: {  	_ =	shalt  }
0x5a: {  	_ =	shalt  }
0x5b: {  	_ =	shalt  }
0x5c: {  	_ =	shalt  }
0x5d: {  	_ =	shalt  }
0x5e: {  	_ =	shalt  }
0x5f: {  	_ =	shalt  }
0x60: {  	_ =	shalt  }
0x61: {  	_ =	shalt  }
0x62: {  	_ =	shalt  }
0x63: {  	_ =	shalt  }
0x64: {  	_ =	shalt  }
0x65: {  	_ =	shalt  }
0x66: {  	_ =	shalt  }
0x67: {  	_ =	shalt  }
0x68: {  	_ =	shalt  }
0x69: {  	_ =	shalt  }
0x6a: {  	_ =	shalt  }
0x6b: {  	_ =	shalt  }
0x6c: {  	_ =	shalt  }
0x6d: {  	_ =	shalt  }
0x6e: {  	_ =	shalt  }
0x6f: {  	_ =	shalt  }
0x70: {  	_ =	shalt  }
0x71: {  	_ =	shalt  }
0x72: {  	_ =	shalt  }
0x73: {  	_ =	shalt  }
0x74: {  	_ =	shalt  }
0x75: {  	_ =	shalt  }
0x76: {  	_ =	shalt  }
0x77: {  	_ =	shalt  }
0x78: {  	_ =	shalt  }
0x79: {  	_ =	shalt  }
0x7a: {  	_ =	shalt  }
0x7b: {  	_ =	shalt  }
0x7c: {  	_ =	shalt  }
0x7d: {  	_ =	shalt  }
0x7e: {  	_ =	shalt  }
0x7f: {  	_ =	shalt  }
0x80: {  	_ =	shalt  }
0x81: {  	_ =	shalt  }
0x82: {  	_ =	shalt  }
0x83: {  	_ =	shalt  }
0x84: {  	_ =	shalt  }
0x85: {  	_ =	shalt  }
0x86: {  	_ =	shalt  }
0x87: {  	_ =	shalt  }
.Lfunc_end0:
.L_simem_size_0:
called_computation_lowered:
.L_overlay_start_0:
0x88: {  	s2 =	sld [smem:$0x3FD9]  }
0x89: {  	s3 =	sld [smem:$0x3FFE];
	_ =	sdelay $0x1  }
0x8a: {  	s1 =	srdreg.scid  }
0x8b: {  	s0 =	sand.u32 $0x1, s1  }
0x8c: {  	s17 =	sshll.u32 s0, $0xA;
	s2 =	sadd.s32 s3, s2  }
0x8d: {  	s2 =	sadd.s32 s2, s17  }
0x8e: {  	[smem:$0x3FC6] =	sst s2  }
0x8f: {  	_ = 	snop  }
0x90: {  	s2 =	sld [smem:$0x3FC8];
	(tm) =	ssettm $0x1  }
0x91: {  	s18 =	sld [smem:$0x3FFB];
	_ =	sdelay $0x3  }
0x92: {  	_ =	strace s18  }
0x93: {  	s3 =	sld [smem:$0x3FFC];
	_ =	sdelay $0x3  }
0x94: {  	_ =	strace s3  }
0x95: {  	s3 =	sld [smem:$0x3FFD];
	_ =	sdelay $0x3  }
0x96: {  	_ =	strace s3  }
0x97: {  	_ =	strace $0x8FFFFFFF  }
0x98: {  	s19 =	sld [smem:$0x3FDB];
	_ =	sdelay $0x1  }
0x99: {  	s4 =	simm.s32 $_scs_section_size  }
0x9a: {  	s5 =	simm.s32 $_size__tile_overlayer_lowered;
	s6 =	simm.s32 $_tile_overlayer_lowered  }
0x9b: {  	s22 =	simm.s32 $0x1BFF;
	s21 =	sshll.u32 s6, $0x1;
	s3 =	sadd.s32 s4, s19  }
0x9c: {  	s7 =	simm.s32 $0x0;
	s20 =	sshll.u32 s5, $0x1;
	s5 =	sadd.s32 s21, s3  }
0x9d: {  	[timem:s7], [sflag:s22] =	dma.local [hbm:s5], s20  }
0x9e: {  	_ =	swait.ge [sflag:s22], s20  }
0x9f: {  	s4 =	ssub.s32 $0x0, s20;
	[sflag:s22] =	ssyncset.done $0x0  }
0xa0: {  	[sflag:s22] =	ssyncadd.s32 s4;
	_ =	sdelay $0x1  }
0xa1: {  	s23 =	simm.s32 $0x1B8B  }
0xa2: {  	_ =	swait.ge [sflag:s23], $0x1  }
0xa3: {  	[sflag:s23] =	ssyncset.done $0x0  }
0xa4: {  	s25 =	simm.s32 $0x1B8E;
	s24 =	sld [smem:$0x3FFE];
	[sflag:s23] =	ssyncadd.s32 $0xFFFFFFFF  }
0xa5: {  	s26 =	simm.s32 $execute0_lowered;
	[smem:$0x3FD2] =	sst s25  }
0xa6: {  	s5 =	sshll.u32 s26, $0x1;
	_ =	strace $0x80000046;
	[dreg:$0x1] =	wrdreg $0xFFFFFFFF  }
0xa7: {  	s28 =	simm.s32 $_size_execute0_lowered;
	s3 =	sadd.s32 s3, s5;
	[dreg:$0x0] =	wrdreg $0x0  }
0xa8: {  	s5 =	sshll.u32 s28, $0x1;
	[dreg:$0x2] =	wrdreg s3  }
0xa9: {  	[dreg:$0x3] =	wrdreg s5  }
0xaa: {  	[dreg:$0x4] =	wrdreg $0xC0  }
0xab: {  	_ =	task [dreg:s7], $0x5FFFF  }
0xac: {  	[dreg:$0x1] =	wrdreg $0xFFFFFFFF  }
0xad: {  	[dreg:$0x0] =	wrdreg $0x60  }
0xae: {  	[dreg:$0x2] =	wrdreg s2  }
0xaf: {  	[dreg:$0x3] =	wrdreg s24  }
0xb0: {  	[dreg:$0x4] =	wrdreg $0x9  }
0xb1: {  	_ =	task.clear_ibuf [dreg:s7], $0x5FFFF;
	_ =	strace $0x90000046  }
0xb2: {  	s29 =	simm.s32 $0x9;
	_ =	strace $0x80000048  }
0xb3: {  	_ =	swait.ge [sflag:s29], $0x1  }
0xb4: {  	[sflag:s29] =	ssyncadd.s32 $0xFFFFFFFF  }
0xb5: {  	_ =	strace $0x90000048  }
0xb6: {  	_ =	sfence  }
0xb7: {  	s30 =	sld [smem:$0x0];
	_ =	sdelay $0x2  }
0xb8: {  	s31 =	sshll.u32 s1, $0xD;
	s1 =	sshrl.u32 s1, $0x2  }
0xb9: {  	s3 =	sand.u32 $0x4000, s31;
	s1 =	sadd.s32 s1, s30  }
0xba: {  	s0 =	sor.u32 s3, s0;
	s1 =	sshll.u32 s1, $0x11  }
0xbb: {  	s0 =	sor.u32 s1, s0  }
0xbc: {  	s0 =	sadd.s32 $0x8F2B, s0  }
0xbd: {  	[sflag:s0] =	ssyncadd.remote.s32 $0x1  }
0xbe: {  	_ =	sfence.sel $0xFFFF  }
0xbf: {  	[dreg:$0x0] =	wrdreg $0xFFFFFFFF;
	(pc) =	sbr.abs _section_cstart, $3  }
0xc0: {  	[dreg:$0x1] =	wrdreg $0xFFFFFFFF  }
0xc1: {  	_ =	task.clear_ibuf [dreg:s7], $0x2FFFF;
	_ =	strace $0x9FFFFFFF  }
0xc2: {  	(tm) =	ssettm $0x7FFFFFFF  }
0xc3: {  	_ =	shalt  }
tec
execute0_lowered:
.L_overlay_start_1:
0x0: {  	(tag) =	ssettag $0x1  }
0x1: {  	s0 =	srdreg.scid  }
0x2: {  	s3 =	sand.u32 $0x1, s0;
	s0 =	stileid.u32  }
0x3: {  	s5 =	sor.u32 s0, s3  }
0x4: {  	p0 =	sne.s32 s5, $0x0  }
.Ltmp0:
0x5: {  	_ = 	snop;
	(pc) =	sbr.rel @p0 .LBB2_5-.Ltmp0, $4  }
0x6: {  	_ = 	snop  }
0x7: {  	s2 =	rddreg [dreg:$0x0]  }
0x8: {  	s4 =	rddreg [dreg:$0x1]  }
0x9: {  	s1 =	rddreg [dreg:$0x2];
	_ =	strace $0x80000047  }
0xa: {  	v0 =	vlaneseq.u32  }
0xb: {  	vm0 =	vcmask $0x3F3C;
	vm1 =	vcmask $0x3B38;
	vm2 =	vcmask $0x3734  }
0xc: {  	vm3 =	vcmask $0x3330;
	vm4 =	vcmask $0x2F2C;
	vm5 =	vcmask $0x2B28  }
0xd: {  	s5 =	ssub.s32 $0x2, s3;
	s3 =	sadd.s32 $0x600, s4;
	vm6 =	vcmask $0x2724;
	vm7 =	vcmask $0x2320;
	vm8 =	vcmask $0x1F1C;
	s4 =	sadd.s32 $0xA00, s4  }
0xe: {  	vm9 =	vcmask $0x1B18;
	vm10 =	vcmask $0x1714;
	vm11 =	vcmask $0x1310;
	s7 =	simm.s32 $0x1;
	s8 =	simm.s32 $0x800;
	s6 =	sshrl.u32 s5, $0x1  }
0xf: {  	vm12 =	vcmask $0xF0C;
	vm13 =	vcmask $0xB08;
	vm14 =	vcmask $0x704;
	s9 =	simm.s32 $0x0;
	s5 =	ssub.s32 s5, s6;
	s6 =	simm.s32 $0x0  }
.LBB2_2:
0x10: {  	[tilespmem:s6], [sflag:$0x1] =	stream.linear.gather [hbm4b:s2+s6], $0x800, $0x38;
	[tilespmem:$0x2800] =	vst v63  }
0x11: {  	_ =	swait.ge [sflag:s7], $0x800  }
0x12: {  	[sflag:s7] =	ssyncset.done $0x0  }
0x13: {  	[sflag:s7] =	ssyncadd.s32 $0xFFFFF800  }
0x14: {  	[tilespmem:s8], [sflag:$0x1] =	stream.linear.gather [hbm4b:s3+s6], $0x2000, $0x38;
	[tilespmem:$0x2800] =	vst v63  }
0x15: {  	_ =	swait.ge [sflag:s7], $0x2000  }
0x16: {  	[sflag:s7] =	ssyncset.done $0x0  }
0x17: {  	s10 =	simm.s32 $0x7F0;
	[sflag:s7] =	ssyncadd.s32 $0xFFFFE000  }
0x18: {  	v1 =	vld [tilespmem:s10+$0x0];
	_ =	sdelay $0x6  }
0x19: {  	v2 =	vor.u32 s10, v0  }
0x1a: {  	[tilespmem:v1+s8+$0x0] =	vst.idx.msk vm0, v2  }
0x1b: {  	[tilespmem:v1+s8+$0x0] =	vst.idx.msk vm1, v2  }
0x1c: {  	[tilespmem:v1+s8+$0x0] =	vst.idx.msk vm2, v2  }
0x1d: {  	[tilespmem:v1+s8+$0x0] =	vst.idx.msk vm3, v2  }
0x1e: {  	[tilespmem:v1+s8+$0x0] =	vst.idx.msk vm4, v2  }
0x1f: {  	[tilespmem:v1+s8+$0x0] =	vst.idx.msk vm5, v2  }
0x20: {  	[tilespmem:v1+s8+$0x0] =	vst.idx.msk vm6, v2  }
0x21: {  	[tilespmem:v1+s8+$0x0] =	vst.idx.msk vm7, v2  }
0x22: {  	[tilespmem:v1+s8+$0x0] =	vst.idx.msk vm8, v2  }
0x23: {  	[tilespmem:v1+s8+$0x0] =	vst.idx.msk vm9, v2  }
0x24: {  	[tilespmem:v1+s8+$0x0] =	vst.idx.msk vm10, v2  }
0x25: {  	[tilespmem:v1+s8+$0x0] =	vst.idx.msk vm11, v2  }
0x26: {  	[tilespmem:v1+s8+$0x0] =	vst.idx.msk vm12, v2  }
0x27: {  	[tilespmem:v1+s8+$0x0] =	vst.idx.msk vm13, v2  }
0x28: {  	s11 =	simm.s32 $0x7E0;
	[tilespmem:v1+s8+$0x0] =	vst.idx.msk vm14, v2  }
.LBB2_3:
0x29: {  	p0 =	sne.s32 s11, $0x0  }
0x2a: {  	[tilespmem:v1+s8+$0x0] =	vst.idx.msk $0x1, v2;
	s10 =	sadd.s32 $0xFFFFFFF0, s10;
	s12 =	smov.u32 s11;
	s11 =	sadd.s32 $0xFFFFFFF0, s11  }
0x2b: {  	v1 =	vld [tilespmem:s10+$0x0];
	_ =	sdelay $0x6  }
0x2c: {  	v2 =	vor.u32 s12, v0  }
0x2d: {  	[tilespmem:v1+s8+$0x0] =	vst.idx.msk vm0, v2  }
0x2e: {  	[tilespmem:v1+s8+$0x0] =	vst.idx.msk vm1, v2  }
0x2f: {  	[tilespmem:v1+s8+$0x0] =	vst.idx.msk vm2, v2  }
0x30: {  	[tilespmem:v1+s8+$0x0] =	vst.idx.msk vm3, v2  }
0x31: {  	[tilespmem:v1+s8+$0x0] =	vst.idx.msk vm4, v2  }
0x32: {  	[tilespmem:v1+s8+$0x0] =	vst.idx.msk vm5, v2  }
0x33: {  	[tilespmem:v1+s8+$0x0] =	vst.idx.msk vm6, v2  }
0x34: {  	[tilespmem:v1+s8+$0x0] =	vst.idx.msk vm7, v2  }
0x35: {  	[tilespmem:v1+s8+$0x0] =	vst.idx.msk vm8, v2  }
0x36: {  	[tilespmem:v1+s8+$0x0] =	vst.idx.msk vm9, v2  }
.Ltmp1:
0x37: {  	[tilespmem:v1+s8+$0x0] =	vst.idx.msk vm10, v2;
	(pc) =	sbr.rel @p0 .LBB2_3-.Ltmp1, $4  }
0x38: {  	[tilespmem:v1+s8+$0x0] =	vst.idx.msk vm11, v2  }
0x39: {  	[tilespmem:v1+s8+$0x0] =	vst.idx.msk vm12, v2  }
0x3a: {  	[tilespmem:v1+s8+$0x0] =	vst.idx.msk vm13, v2  }
0x3b: {  	[tilespmem:v1+s8+$0x0] =	vst.idx.msk vm14, v2  }
0x3c: {  	_ =	sdelay $0x3  }
0x3d: {  	[tilespmem:v1+s8+$0x0] =	vst.idx.msk $0x1, v2  }
0x3e: {  	v1 =	vld [tilespmem:$0x800];
	_ =	sdelay $0x3  }
0x3f: {  	vm15 =	veq.s32 v0, $0x0;
	s9 =	sadd.s32 $0x1, s9  }
0x40: {  	p0 =	sne.s32 s9, s5;
	v1 =	vsel vm15, $0x800, v1  }
.Ltmp2:
0x41: {  	[tilespmem:$0x800] =	vst v1;
	(pc) =	sbr.rel @p0 .LBB2_2-.Ltmp2, $4  }
0x42: {  	[hbm4b:s4+s6] =	stream.linear.scatter [tilespmem:s8], [sflag:$0x1], $0x2000, $0x38;
	[tilespmem:$0x2800] =	vst v63  }
0x43: {  	_ =	swait.ge [sflag:s7], $0x2000  }
0x44: {  	[sflag:s7] =	ssyncset.done $0x0  }
0x45: {  	[sflag:s7] =	ssyncadd.s32 $0xFFFFE000  }
.LBB2_5:
0x46: {  	_ =	sfence.sel $0x180000  }
0x47: {  	[bflag:$0x0] =	sbarrier.arrive $0xFFFF  }
0x48: {  	p0 =	sne.s32 s0, $0x0;
	_ =	strace $0x90000047  }
0x49: {  	s0 =	sadd.s32 @!p0 $0x100000, s1;
	[bflag:$0x2] =	sbarrier.arrive $0xFFFF  }
0x4a: {  	[sflag:s0] =	ssyncadd.tile.s32 @!p0 $0x1;
	_ =	shalt  }
.Lfunc_end2:
_tile_overlayer_lowered:
.L_overlay_start_2:
0x4b: {  	(tag) =	ssettag $0x2  }
0x4c: {  	s0 =	rddreg [dreg:$0x0];
	s2 =	stileid.u32  }
0x4d: {  	s1 =	rddreg [dreg:$0x1];
	p0 =	sne.s32 s2, $0x0  }
0x4e: {  	s3 =	rddreg [dreg:$0x2];
	[bflag:$0x3] =	sbarrier.arrive $0xFFFF;
	s2 =	simm.s32 @!p0 $0x1C01  }
0x4f: {  	[timem:s3], [sflag:s2] =	dma.local @!p0 [hbm:s0], s1  }
0x50: {  	s0 =	simm.s32 @!p0 $0x1  }
0x51: {  	_ =	swait.ge @!p0 [sflag:s0], s1  }
0x52: {  	s1 =	ssub.s32 @!p0 $0x0, s1;
	[sflag:s0] =	ssyncset.done @!p0 $0x0  }
0x53: {  	[sflag:s0] =	ssyncadd.s32 @!p0 s1  }
0x54: {  	[bflag:$0x3] =	sbarrier.arrive $0xFFFF  }
0x55: {  	_ =	shalt  }

</sc_bundles>
